<compile_context>
chip_gen: v7x
topology: tpu7x:2x2x1
jax: 0.10.2.dev20260603
libtpu: 0.0.44.dev20260713+nightly
codegen_flags: <defaults>
</compile_context>

<pallas_src>
import functools

import jax
import jax.numpy as jnp
from jax import lax
from jax.experimental import pallas as pl
from jax.experimental.pallas import tpu as pltpu
from jax.experimental.pallas import tpu_sc as plsc

_D = 1024
_B = 4 * 8192
_NC, _NS = 2, 16
_NW = _NC * _NS
_B_PER_W = _B // _NW
_K = 32
_NBUF = 2
_NCHUNK = _B_PER_W // _K
_NGROUP = _NCHUNK // _NBUF


def _make_gather():
    mesh = plsc.VectorSubcoreMesh(core_axis_name="c", subcore_axis_name="s")

    @functools.partial(
        pl.kernel,
        mesh=mesh,
        out_type=jax.ShapeDtypeStruct((_B, _D), jnp.float32),
        scratch_types=[
            pltpu.VMEM((_B_PER_W,), jnp.int32),
            pltpu.VMEM((_NBUF, _K, _D), jnp.float32),
            pltpu.SemaphoreType.DMA,
            pltpu.SemaphoreType.DMA,
        ],
    )
    def gather_kernel(table_hbm, idx_hbm, out_hbm, idx_v, bufs, gsem, wsem):
        wid = lax.axis_index("s") * _NC + lax.axis_index("c")
        base = wid * _B_PER_W
        pltpu.sync_copy(idx_hbm.at[pl.ds(base, _B_PER_W)], idx_v)

        def gather_cp(chunk, b):
            return pltpu.make_async_copy(
                table_hbm.at[idx_v.at[pl.ds(chunk * _K, _K)]],
                bufs.at[b],
                gsem,
            )

        def write_cp(chunk, b):
            return pltpu.make_async_copy(
                bufs.at[b],
                out_hbm.at[pl.ds(base + chunk * _K, _K)],
                wsem,
            )

        for b in range(_NBUF):
            gather_cp(b, b).start()

        def body(i, carry):
            for b in range(_NBUF):
                g = i * _NBUF + b
                gather_cp(g, b).wait()
                write_cp(g, b).start()
                write_cp(g, b).wait()

                @pl.when(g + _NBUF < _NCHUNK)
                def _():
                    gather_cp(g + _NBUF, b).start()

            return carry

        lax.fori_loop(0, _NGROUP, body, 0)

    return gather_kernel


_gather = _make_gather()


def kernel(positions, pos_enc):
    idx = positions.reshape(-1).astype(jnp.int32)
    out = _gather(pos_enc, idx)
    return out.reshape(positions.shape + (pos_enc.shape[1],))

# --- scband reference (transcript-rebuilt; emitter-appended) ---
"""Pipeline reference for scband-pos-encoding-17360257810674 (READ-ONLY COPY).

The authoritative reference and input builder live on the scoring server;
editing this copy changes nothing except your own understanding.
"""

import jax, jax.numpy as jnp
import numpy as np

MAX_SEQ_LEN = 8192
D_WORD_VEC = 1024


def _build_table():
    # Faithful, vectorized version of the torch constructor's table:
    # pos_enc[pos, j] = pos / 10000^(2*(j//2)/d) for pos != 0, zeros for pos == 0,
    # then sin on even columns, cos on odd columns (rows 1:).
    pos = np.arange(MAX_SEQ_LEN, dtype=np.float64)[:, None]
    j = np.arange(D_WORD_VEC, dtype=np.float64)[None, :]
    table = pos / np.power(10000.0, 2.0 * np.floor(j / 2.0) / D_WORD_VEC)
    table[0, :] = 0.0
    table[1:, 0::2] = np.sin(table[1:, 0::2])
    table[1:, 1::2] = np.cos(table[1:, 1::2])
    return jnp.asarray(table, dtype=jnp.float32)


def setup_inputs(seed: int = 0) -> dict:
    key = jax.random.key(seed)
    positions = jax.random.randint(key, (4, 8192), 0, MAX_SEQ_LEN)
    pos_enc = _build_table()
    return {"positions": positions, "pos_enc": pos_enc}


def reference(positions, pos_enc):
    # nn.Embedding forward == row gather from the table
    return jnp.take(pos_enc, positions, axis=0)

if __name__ == "__main__":
    import jax
    _d = setup_inputs()
    print(jax.jit(kernel)(*tuple(_d.values())))

</pallas_src>

<mosaic_0001>
#map = affine_map<(d0, d1) -> (0, 0)>
#map1 = affine_map<(d0, d1) -> (0)>
module attributes {stable_mosaic.version = 14 : i64} {
  func.func @gather_kernel(%arg0: i32, %arg1: i32, %arg2: memref<8192x1024xf32, #tpu.memory_space<hbm>>, %arg3: memref<32768xi32, #tpu.memory_space<hbm>>, %arg4: memref<32768x1024xf32, #tpu.memory_space<hbm>>, %arg5: memref<1024xi32, #tpu.memory_space<vmem>>, %arg6: memref<2x32x1024xf32, #tpu.memory_space<vmem>>, %arg7: memref<!tpu.dma_semaphore, #tpu.memory_space<semaphore_mem>>, %arg8: memref<!tpu.dma_semaphore, #tpu.memory_space<semaphore_mem>>) attributes {dimension_semantics = [#tpu.dimension_semantics<core_parallel>, #tpu.dimension_semantics<subcore_parallel>], iteration_bounds = array<i64: 2, 16>, scalar_prefetch = 0 : i64, scratch_operands = 4 : i64, tpu.core_type = #tpu.core_type<sc_vector_subcore>, window_params = [{transform_indices = #map}, {transform_indices = #map1}, {transform_indices = #map}]} {
    %mul3A = arith.constant 2 : i32
    %mul3A_0 = arith.muli %arg1, %mul3A : i32
    %add3A = arith.addi %mul3A_0, %arg0 : i32
    %mul3A_1 = arith.constant 1024 : i32
    %mul3A_2 = arith.muli %add3A, %mul3A_1 : i32
    "tpu.region"() ({
      %run_scoped3A = tpu.sem_alloc : memref<!tpu.dma_semaphore, #tpu.memory_space<semaphore_mem>>
      %dma_start3A_27 = tpu.memref_slice %arg3[%mul3A_2] : memref<32768xi32, #tpu.memory_space<hbm>> -> memref<1024xi32, #tpu.memory_space<hbm>>
      %dma_start3A_28 = tpu.memref_slice %arg3[%mul3A_2] : memref<32768xi32, #tpu.memory_space<hbm>> -> memref<1024xi32, #tpu.memory_space<hbm>>
      tpu.enqueue_dma source(%dma_start3A_28 : memref<1024xi32, #tpu.memory_space<hbm>>) target(%arg5 : memref<1024xi32, #tpu.memory_space<vmem>>) target_semaphore(%run_scoped3A : memref<!tpu.dma_semaphore, #tpu.memory_space<semaphore_mem>>)
      %dma_wait3A = tpu.memref_slice %arg3[%mul3A_2] : memref<32768xi32, #tpu.memory_space<hbm>> -> memref<1024xi32, #tpu.memory_space<hbm>>
      %dma_wait3A_29 = tpu.memref_slice %arg3[%mul3A_2] : memref<32768xi32, #tpu.memory_space<hbm>> -> memref<1024xi32, #tpu.memory_space<hbm>>
      tpu.wait_dma2 semaphore(%run_scoped3A : memref<!tpu.dma_semaphore, #tpu.memory_space<semaphore_mem>>) src(%dma_wait3A_29 : memref<1024xi32, #tpu.memory_space<hbm>>) dst(%arg5 : memref<1024xi32, #tpu.memory_space<vmem>>)
      tpu.yield
    }) : () -> ()
    %dma_start3A = arith.constant 0 : i32
    %dma_start3A_3 = arith.constant 0 : i32
    %dma_start3A_4 = arith.constant 0 : i32
    %dma_start3A_5 = tpu.memref_slice %arg6[%dma_start3A, %dma_start3A_3, %dma_start3A_4] : memref<2x32x1024xf32, #tpu.memory_space<vmem>> -> memref<1x32x1024xf32, #tpu.memory_space<vmem>>
    %dma_start3A_6 = tpu.memref_squeeze %dma_start3A_5 : memref<1x32x1024xf32, #tpu.memory_space<vmem>> -> memref<32x1024xf32, #tpu.memory_space<vmem>>
    %dma_start3A_7 = arith.constant 0 : i32
    %dma_start3A_8 = tpu.memref_slice %arg5[%dma_start3A_7] : memref<1024xi32, #tpu.memory_space<vmem>> -> memref<32xi32, #tpu.memory_space<vmem>>
    %dma_start3A_9 = arith.constant 0 : i32
    %dma_start3A_10 = arith.constant 0 : i32
    %dma_start3A_11 = tpu.memref_slice %arg2[%dma_start3A_9, %dma_start3A_10] : memref<8192x1024xf32, #tpu.memory_space<hbm>> -> memref<8192x1024xf32, #tpu.memory_space<hbm>>
    tpu.enqueue_indirect_dma source(%dma_start3A_11 : memref<8192x1024xf32, #tpu.memory_space<hbm>>) target(%dma_start3A_6 : memref<32x1024xf32, #tpu.memory_space<vmem>>) offsets(%dma_start3A_8 : memref<32xi32, #tpu.memory_space<vmem>>) semaphore(%arg7 : memref<!tpu.dma_semaphore, #tpu.memory_space<semaphore_mem>>)
    %dma_start3A_12 = arith.constant 1 : i32
    %dma_start3A_13 = arith.constant 0 : i32
    %dma_start3A_14 = arith.constant 0 : i32
    %dma_start3A_15 = tpu.memref_slice %arg6[%dma_start3A_12, %dma_start3A_13, %dma_start3A_14] : memref<2x32x1024xf32, #tpu.memory_space<vmem>> -> memref<1x32x1024xf32, #tpu.memory_space<vmem>>
    %dma_start3A_16 = tpu.memref_squeeze %dma_start3A_15 : memref<1x32x1024xf32, #tpu.memory_space<vmem>> -> memref<32x1024xf32, #tpu.memory_space<vmem>>
    %dma_start3A_17 = arith.constant 32 : i32
    %dma_start3A_18 = tpu.memref_slice %arg5[%dma_start3A_17] : memref<1024xi32, #tpu.memory_space<vmem>> -> memref<32xi32, #tpu.memory_space<vmem>>
    %dma_start3A_19 = arith.constant 0 : i32
    %dma_start3A_20 = arith.constant 0 : i32
    %dma_start3A_21 = tpu.memref_slice %arg2[%dma_start3A_19, %dma_start3A_20] : memref<8192x1024xf32, #tpu.memory_space<hbm>> -> memref<8192x1024xf32, #tpu.memory_space<hbm>>
    tpu.enqueue_indirect_dma source(%dma_start3A_21 : memref<8192x1024xf32, #tpu.memory_space<hbm>>) target(%dma_start3A_16 : memref<32x1024xf32, #tpu.memory_space<vmem>>) offsets(%dma_start3A_18 : memref<32xi32, #tpu.memory_space<vmem>>) semaphore(%arg7 : memref<!tpu.dma_semaphore, #tpu.memory_space<semaphore_mem>>)
    %scan3A = arith.constant 0 : i32
    %scan3A_22 = arith.constant 0 : i32
    %scan3A_23 = arith.constant 16 : i32
    %scan3A_24 = arith.addi %scan3A_22, %scan3A_23 : i32
    %scan3A_25 = arith.constant 1 : i32
    scf.for %scan3A_27 = %scan3A_22 to %scan3A_24 step %scan3A_25  : i32 {
      %mul3A_28 = arith.constant 2 : i32
      %mul3A_29 = arith.muli %scan3A_27, %mul3A_28 : i32
      %add3A_30 = arith.constant 0 : i32
      %add3A_31 = arith.addi %mul3A_29, %add3A_30 : i32
      %mul3A_32 = arith.constant 32 : i32
      %mul3A_33 = arith.muli %add3A_31, %mul3A_32 : i32
      %dma_wait3A = arith.constant 0 : i32
      %dma_wait3A_34 = arith.constant 0 : i32
      %dma_wait3A_35 = arith.constant 0 : i32
      %dma_wait3A_36 = tpu.memref_slice %arg6[%dma_wait3A, %dma_wait3A_34, %dma_wait3A_35] : memref<2x32x1024xf32, #tpu.memory_space<vmem>> -> memref<1x32x1024xf32, #tpu.memory_space<vmem>>
      %dma_wait3A_37 = tpu.memref_squeeze %dma_wait3A_36 : memref<1x32x1024xf32, #tpu.memory_space<vmem>> -> memref<32x1024xf32, #tpu.memory_space<vmem>>
      %dma_wait3A_38 = tpu.memref_slice %arg5[%mul3A_33] : memref<1024xi32, #tpu.memory_space<vmem>> -> memref<32xi32, #tpu.memory_space<vmem>>
      %dma_wait3A_39 = arith.constant 0 : i32
      %dma_wait3A_40 = arith.constant 0 : i32
      %dma_wait3A_41 = tpu.memref_slice %arg2[%dma_wait3A_39, %dma_wait3A_40] : memref<8192x1024xf32, #tpu.memory_space<hbm>> -> memref<8192x1024xf32, #tpu.memory_space<hbm>>
      tpu.wait_indirect_dma semaphore(%arg7 : memref<!tpu.dma_semaphore, #tpu.memory_space<semaphore_mem>>) src(%dma_wait3A_41 : memref<8192x1024xf32, #tpu.memory_space<hbm>>) dst(%dma_wait3A_37 : memref<32x1024xf32, #tpu.memory_space<vmem>>)
      %mul3A_42 = arith.constant 32 : i32
      %mul3A_43 = arith.muli %add3A_31, %mul3A_42 : i32
      %add3A_44 = arith.addi %mul3A_2, %mul3A_43 : i32
      %dma_start3A_45 = arith.constant 0 : i32
      %dma_start3A_46 = arith.constant 0 : i32
      %dma_start3A_47 = arith.constant 0 : i32
      %dma_start3A_48 = tpu.memref_slice %arg6[%dma_start3A_45, %dma_start3A_46, %dma_start3A_47] : memref<2x32x1024xf32, #tpu.memory_space<vmem>> -> memref<1x32x1024xf32, #tpu.memory_space<vmem>>
      %dma_start3A_49 = tpu.memref_squeeze %dma_start3A_48 : memref<1x32x1024xf32, #tpu.memory_space<vmem>> -> memref<32x1024xf32, #tpu.memory_space<vmem>>
      %dma_start3A_50 = arith.constant 0 : i32
      %dma_start3A_51 = tpu.memref_slice %arg4[%add3A_44, %dma_start3A_50] : memref<32768x1024xf32, #tpu.memory_space<hbm>> -> memref<32x1024xf32, #tpu.memory_space<hbm>>
      %dma_start3A_52 = arith.constant 0 : i32
      %dma_start3A_53 = tpu.memref_slice %arg4[%add3A_44, %dma_start3A_52] : memref<32768x1024xf32, #tpu.memory_space<hbm>> -> memref<32x1024xf32, #tpu.memory_space<hbm>>
      %dma_start3A_54 = arith.constant 0 : i32
      %dma_start3A_55 = arith.constant 0 : i32
      %dma_start3A_56 = tpu.memref_slice %arg6[%dma_start3A_45, %dma_start3A_54, %dma_start3A_55] : memref<2x32x1024xf32, #tpu.memory_space<vmem>> -> memref<1x32x1024xf32, #tpu.memory_space<vmem>>
      %dma_start3A_57 = tpu.memref_squeeze %dma_start3A_56 : memref<1x32x1024xf32, #tpu.memory_space<vmem>> -> memref<32x1024xf32, #tpu.memory_space<vmem>>
      tpu.enqueue_dma source(%dma_start3A_57 : memref<32x1024xf32, #tpu.memory_space<vmem>>) target(%dma_start3A_53 : memref<32x1024xf32, #tpu.memory_space<hbm>>) target_semaphore(%arg8 : memref<!tpu.dma_semaphore, #tpu.memory_space<semaphore_mem>>)
      %mul3A_58 = arith.constant 32 : i32
      %mul3A_59 = arith.muli %add3A_31, %mul3A_58 : i32
      %add3A_60 = arith.addi %mul3A_2, %mul3A_59 : i32
      %dma_wait3A_61 = arith.constant 0 : i32
      %dma_wait3A_62 = arith.constant 0 : i32
      %dma_wait3A_63 = arith.constant 0 : i32
      %dma_wait3A_64 = tpu.memref_slice %arg6[%dma_wait3A_61, %dma_wait3A_62, %dma_wait3A_63] : memref<2x32x1024xf32, #tpu.memory_space<vmem>> -> memref<1x32x1024xf32, #tpu.memory_space<vmem>>
      %dma_wait3A_65 = tpu.memref_squeeze %dma_wait3A_64 : memref<1x32x1024xf32, #tpu.memory_space<vmem>> -> memref<32x1024xf32, #tpu.memory_space<vmem>>
      %dma_wait3A_66 = arith.constant 0 : i32
      %dma_wait3A_67 = tpu.memref_slice %arg4[%add3A_60, %dma_wait3A_66] : memref<32768x1024xf32, #tpu.memory_space<hbm>> -> memref<32x1024xf32, #tpu.memory_space<hbm>>
      %dma_wait3A_68 = arith.constant 0 : i32
      %dma_wait3A_69 = tpu.memref_slice %arg4[%add3A_60, %dma_wait3A_68] : memref<32768x1024xf32, #tpu.memory_space<hbm>> -> memref<32x1024xf32, #tpu.memory_space<hbm>>
      %dma_wait3A_70 = arith.constant 0 : i32
      %dma_wait3A_71 = arith.constant 0 : i32
      %dma_wait3A_72 = tpu.memref_slice %arg6[%dma_wait3A_61, %dma_wait3A_70, %dma_wait3A_71] : memref<2x32x1024xf32, #tpu.memory_space<vmem>> -> memref<1x32x1024xf32, #tpu.memory_space<vmem>>
      %dma_wait3A_73 = tpu.memref_squeeze %dma_wait3A_72 : memref<1x32x1024xf32, #tpu.memory_space<vmem>> -> memref<32x1024xf32, #tpu.memory_space<vmem>>
      tpu.wait_dma2 semaphore(%arg8 : memref<!tpu.dma_semaphore, #tpu.memory_space<semaphore_mem>>) src(%dma_wait3A_73 : memref<32x1024xf32, #tpu.memory_space<vmem>>) dst(%dma_wait3A_69 : memref<32x1024xf32, #tpu.memory_space<hbm>>)
      %add3A_74 = arith.constant 2 : i32
      %add3A_75 = arith.addi %add3A_31, %add3A_74 : i32
      %lt3A = arith.constant 32 : i32
      %lt3A_76 = arith.cmpi slt, %add3A_75, %lt3A : i32
      %convert_element_type3A = arith.extui %lt3A_76 : i1 to i32
      %cond3A = arith.constant 0 : i32
      %cond3A_77 = arith.cmpi ne, %convert_element_type3A, %cond3A : i32
      scf.if %cond3A_77 {
        %add3A_132 = arith.constant 2 : i32
        %add3A_133 = arith.addi %add3A_31, %add3A_132 : i32
        %mul3A_134 = arith.constant 32 : i32
        %mul3A_135 = arith.muli %add3A_133, %mul3A_134 : i32
        %dma_start3A_136 = arith.constant 0 : i32
        %dma_start3A_137 = arith.constant 0 : i32
        %dma_start3A_138 = arith.constant 0 : i32
        %dma_start3A_139 = tpu.memref_slice %arg6[%dma_start3A_136, %dma_start3A_137, %dma_start3A_138] : memref<2x32x1024xf32, #tpu.memory_space<vmem>> -> memref<1x32x1024xf32, #tpu.memory_space<vmem>>
        %dma_start3A_140 = tpu.memref_squeeze %dma_start3A_139 : memref<1x32x1024xf32, #tpu.memory_space<vmem>> -> memref<32x1024xf32, #tpu.memory_space<vmem>>
        %dma_start3A_141 = tpu.memref_slice %arg5[%mul3A_135] : memref<1024xi32, #tpu.memory_space<vmem>> -> memref<32xi32, #tpu.memory_space<vmem>>
        %dma_start3A_142 = arith.constant 0 : i32
        %dma_start3A_143 = arith.constant 0 : i32
        %dma_start3A_144 = tpu.memref_slice %arg2[%dma_start3A_142, %dma_start3A_143] : memref<8192x1024xf32, #tpu.memory_space<hbm>> -> memref<8192x1024xf32, #tpu.memory_space<hbm>>
        tpu.enqueue_indirect_dma source(%dma_start3A_144 : memref<8192x1024xf32, #tpu.memory_space<hbm>>) target(%dma_start3A_140 : memref<32x1024xf32, #tpu.memory_space<vmem>>) offsets(%dma_start3A_141 : memref<32xi32, #tpu.memory_space<vmem>>) semaphore(%arg7 : memref<!tpu.dma_semaphore, #tpu.memory_space<semaphore_mem>>)
      } else {
      }
      %mul3A_78 = arith.constant 2 : i32
      %mul3A_79 = arith.muli %scan3A_27, %mul3A_78 : i32
      %add3A_80 = arith.constant 1 : i32
      %add3A_81 = arith.addi %mul3A_79, %add3A_80 : i32
      %mul3A_82 = arith.constant 32 : i32
      %mul3A_83 = arith.muli %add3A_81, %mul3A_82 : i32
      %dma_wait3A_84 = arith.constant 1 : i32
      %dma_wait3A_85 = arith.constant 0 : i32
      %dma_wait3A_86 = arith.constant 0 : i32
      %dma_wait3A_87 = tpu.memref_slice %arg6[%dma_wait3A_84, %dma_wait3A_85, %dma_wait3A_86] : memref<2x32x1024xf32, #tpu.memory_space<vmem>> -> memref<1x32x1024xf32, #tpu.memory_space<vmem>>
      %dma_wait3A_88 = tpu.memref_squeeze %dma_wait3A_87 : memref<1x32x1024xf32, #tpu.memory_space<vmem>> -> memref<32x1024xf32, #tpu.memory_space<vmem>>
      %dma_wait3A_89 = tpu.memref_slice %arg5[%mul3A_83] : memref<1024xi32, #tpu.memory_space<vmem>> -> memref<32xi32, #tpu.memory_space<vmem>>
      %dma_wait3A_90 = arith.constant 0 : i32
      %dma_wait3A_91 = arith.constant 0 : i32
      %dma_wait3A_92 = tpu.memref_slice %arg2[%dma_wait3A_90, %dma_wait3A_91] : memref<8192x1024xf32, #tpu.memory_space<hbm>> -> memref<8192x1024xf32, #tpu.memory_space<hbm>>
      tpu.wait_indirect_dma semaphore(%arg7 : memref<!tpu.dma_semaphore, #tpu.memory_space<semaphore_mem>>) src(%dma_wait3A_92 : memref<8192x1024xf32, #tpu.memory_space<hbm>>) dst(%dma_wait3A_88 : memref<32x1024xf32, #tpu.memory_space<vmem>>)
      %mul3A_93 = arith.constant 32 : i32
      %mul3A_94 = arith.muli %add3A_81, %mul3A_93 : i32
      %add3A_95 = arith.addi %mul3A_2, %mul3A_94 : i32
      %dma_start3A_96 = arith.constant 1 : i32
      %dma_start3A_97 = arith.constant 0 : i32
      %dma_start3A_98 = arith.constant 0 : i32
      %dma_start3A_99 = tpu.memref_slice %arg6[%dma_start3A_96, %dma_start3A_97, %dma_start3A_98] : memref<2x32x1024xf32, #tpu.memory_space<vmem>> -> memref<1x32x1024xf32, #tpu.memory_space<vmem>>
      %dma_start3A_100 = tpu.memref_squeeze %dma_start3A_99 : memref<1x32x1024xf32, #tpu.memory_space<vmem>> -> memref<32x1024xf32, #tpu.memory_space<vmem>>
      %dma_start3A_101 = arith.constant 0 : i32
      %dma_start3A_102 = tpu.memref_slice %arg4[%add3A_95, %dma_start3A_101] : memref<32768x1024xf32, #tpu.memory_space<hbm>> -> memref<32x1024xf32, #tpu.memory_space<hbm>>
      %dma_start3A_103 = arith.constant 0 : i32
      %dma_start3A_104 = tpu.memref_slice %arg4[%add3A_95, %dma_start3A_103] : memref<32768x1024xf32, #tpu.memory_space<hbm>> -> memref<32x1024xf32, #tpu.memory_space<hbm>>
      %dma_start3A_105 = arith.constant 0 : i32
      %dma_start3A_106 = arith.constant 0 : i32
      %dma_start3A_107 = tpu.memref_slice %arg6[%dma_start3A_96, %dma_start3A_105, %dma_start3A_106] : memref<2x32x1024xf32, #tpu.memory_space<vmem>> -> memref<1x32x1024xf32, #tpu.memory_space<vmem>>
      %dma_start3A_108 = tpu.memref_squeeze %dma_start3A_107 : memref<1x32x1024xf32, #tpu.memory_space<vmem>> -> memref<32x1024xf32, #tpu.memory_space<vmem>>
      tpu.enqueue_dma source(%dma_start3A_108 : memref<32x1024xf32, #tpu.memory_space<vmem>>) target(%dma_start3A_104 : memref<32x1024xf32, #tpu.memory_space<hbm>>) target_semaphore(%arg8 : memref<!tpu.dma_semaphore, #tpu.memory_space<semaphore_mem>>)
      %mul3A_109 = arith.constant 32 : i32
      %mul3A_110 = arith.muli %add3A_81, %mul3A_109 : i32
      %add3A_111 = arith.addi %mul3A_2, %mul3A_110 : i32
      %dma_wait3A_112 = arith.constant 1 : i32
      %dma_wait3A_113 = arith.constant 0 : i32
      %dma_wait3A_114 = arith.constant 0 : i32
      %dma_wait3A_115 = tpu.memref_slice %arg6[%dma_wait3A_112, %dma_wait3A_113, %dma_wait3A_114] : memref<2x32x1024xf32, #tpu.memory_space<vmem>> -> memref<1x32x1024xf32, #tpu.memory_space<vmem>>
      %dma_wait3A_116 = tpu.memref_squeeze %dma_wait3A_115 : memref<1x32x1024xf32, #tpu.memory_space<vmem>> -> memref<32x1024xf32, #tpu.memory_space<vmem>>
      %dma_wait3A_117 = arith.constant 0 : i32
      %dma_wait3A_118 = tpu.memref_slice %arg4[%add3A_111, %dma_wait3A_117] : memref<32768x1024xf32, #tpu.memory_space<hbm>> -> memref<32x1024xf32, #tpu.memory_space<hbm>>
      %dma_wait3A_119 = arith.constant 0 : i32
      %dma_wait3A_120 = tpu.memref_slice %arg4[%add3A_111, %dma_wait3A_119] : memref<32768x1024xf32, #tpu.memory_space<hbm>> -> memref<32x1024xf32, #tpu.memory_space<hbm>>
      %dma_wait3A_121 = arith.constant 0 : i32
      %dma_wait3A_122 = arith.constant 0 : i32
      %dma_wait3A_123 = tpu.memref_slice %arg6[%dma_wait3A_112, %dma_wait3A_121, %dma_wait3A_122] : memref<2x32x1024xf32, #tpu.memory_space<vmem>> -> memref<1x32x1024xf32, #tpu.memory_space<vmem>>
      %dma_wait3A_124 = tpu.memref_squeeze %dma_wait3A_123 : memref<1x32x1024xf32, #tpu.memory_space<vmem>> -> memref<32x1024xf32, #tpu.memory_space<vmem>>
      tpu.wait_dma2 semaphore(%arg8 : memref<!tpu.dma_semaphore, #tpu.memory_space<semaphore_mem>>) src(%dma_wait3A_124 : memref<32x1024xf32, #tpu.memory_space<vmem>>) dst(%dma_wait3A_120 : memref<32x1024xf32, #tpu.memory_space<hbm>>)
      %add3A_125 = arith.constant 2 : i32
      %add3A_126 = arith.addi %add3A_81, %add3A_125 : i32
      %lt3A_127 = arith.constant 32 : i32
      %lt3A_128 = arith.cmpi slt, %add3A_126, %lt3A_127 : i32
      %convert_element_type3A_129 = arith.extui %lt3A_128 : i1 to i32
      %cond3A_130 = arith.constant 0 : i32
      %cond3A_131 = arith.cmpi ne, %convert_element_type3A_129, %cond3A_130 : i32
      scf.if %cond3A_131 {
        %add3A_132 = arith.constant 2 : i32
        %add3A_133 = arith.addi %add3A_81, %add3A_132 : i32
        %mul3A_134 = arith.constant 32 : i32
        %mul3A_135 = arith.muli %add3A_133, %mul3A_134 : i32
        %dma_start3A_136 = arith.constant 1 : i32
        %dma_start3A_137 = arith.constant 0 : i32
        %dma_start3A_138 = arith.constant 0 : i32
        %dma_start3A_139 = tpu.memref_slice %arg6[%dma_start3A_136, %dma_start3A_137, %dma_start3A_138] : memref<2x32x1024xf32, #tpu.memory_space<vmem>> -> memref<1x32x1024xf32, #tpu.memory_space<vmem>>
        %dma_start3A_140 = tpu.memref_squeeze %dma_start3A_139 : memref<1x32x1024xf32, #tpu.memory_space<vmem>> -> memref<32x1024xf32, #tpu.memory_space<vmem>>
        %dma_start3A_141 = tpu.memref_slice %arg5[%mul3A_135] : memref<1024xi32, #tpu.memory_space<vmem>> -> memref<32xi32, #tpu.memory_space<vmem>>
        %dma_start3A_142 = arith.constant 0 : i32
        %dma_start3A_143 = arith.constant 0 : i32
        %dma_start3A_144 = tpu.memref_slice %arg2[%dma_start3A_142, %dma_start3A_143] : memref<8192x1024xf32, #tpu.memory_space<hbm>> -> memref<8192x1024xf32, #tpu.memory_space<hbm>>
        tpu.enqueue_indirect_dma source(%dma_start3A_144 : memref<8192x1024xf32, #tpu.memory_space<hbm>>) target(%dma_start3A_140 : memref<32x1024xf32, #tpu.memory_space<vmem>>) offsets(%dma_start3A_141 : memref<32xi32, #tpu.memory_space<vmem>>) semaphore(%arg7 : memref<!tpu.dma_semaphore, #tpu.memory_space<semaphore_mem>>)
      } else {
      }
    }
    %scan3A_26 = arith.constant 16 : i32
    return
  }
}

</mosaic_0001>

<sc_bundles>
// kernel: kernel.3.cloned.1.call-start
scs
__scs_entry_jumppad:
0x0: {  	(pc) =	sbr.rel $0x88, $3  }
0x1: {  	(tag) =	ssettag $0x0;
	lr =	simm.s32 $0x1  }
0x2: {  	[smem:$0x3F9F] =	sst lr;
	_ =	strace $0xD0000000  }
0x3: {  	_ = 	snop  }
0x4: {  	_ = 	snop  }
0x5: {  	_ = 	snop  }
0x6: {  	_ = 	snop  }
0x7: {  	_ = 	snop  }
__scs_overlays_trampoline_lowered:
0x8: {  	[smem:$0x3FAE] =	sst s0  }
0x9: {  	[smem:$0x3FAF] =	sst s1  }
0xa: {  	[smem:$0x3FB0] =	sst s2  }
0xb: {  	[smem:$0x3FB1] =	sst s3  }
0xc: {  	[smem:$0x3FB2] =	sst s4  }
0xd: {  	[smem:$0x3FB3] =	sst s5  }
0xe: {  	[smem:$0x3FB4] =	sst s6  }
0xf: {  	[smem:$0x3FB5] =	sst s7  }
0x10: {  	[smem:$0x3FB6] =	sst s8  }
0x11: {  	[smem:$0x3FB7] =	sst s9;
	s0 =	simm.s32 @!p0 $0x0  }
0x12: {  	s1 =	sld [smem:$0x3F9D];
	s0 =	simm.s32 @p0 $0x1  }
0x13: {  	[smem:$0x3FB8] =	sst s0;
	s0 =	simm.s32 @!p1 $0x0  }
0x14: {  	s2 =	sld [smem:$0x3F9C];
	s0 =	simm.s32 @p1 $0x1  }
0x15: {  	[smem:$0x3FB9] =	sst s0;
	s0 =	simm.s32 @!p2 $0x0  }
0x16: {  	s3 =	sld [smem:$0x3FDB];
	s0 =	simm.s32 @p2 $0x1  }
0x17: {  	s4 =	simm.s32 $0x1BF5;
	[smem:$0x3FBB] =	sst s0  }
0x18: {  	s0 =	sld [smem:$0x3F9E];
	_ =	swait.ge [sflag:s4], $0x0  }
0x19: {  	s7 =	sld [smem:$0x3F9F]  }
0x1a: {  	s8 =	sadd.s32 $0xFFFFE003, lr  }
0x1b: {  	s9 =	sadd.s32 $0xFFFFFEF7, lr;
	s5 =	simm.s32 $0xFFFFFFFF;
	p2 =	slt.u32 s8, $0xFFFFF086  }
0x1c: {  	p1 =	slt.u32 s9, $0xF7A;
	s5 =	simm.s32 @!p2 $0x0  }
0x1d: {  	s5 =	simm.s32 @p1 $0x1;
	p0 =	seq.s32 s7, s2  }
0x1e: {  	s7 =	smul.u32 @!p0 $0xF7A, s2;
	p2 =	seq.s32 @!p0 s5, $0x0  }
0x1f: {  	s9 =	smul.u32 $0xF7A, s1;
	s8 =	simm.s32 @!p0 $0x1BF5;
	p2 =	por !p2, p0  }
0x20: {  	[sflag:s8] =	ssyncset.s32 @!p0 $0xFFFFF086;
	s6 =	sadd.s32 @!p0 s3, s7;
	s7 =	simm.s32 @!p0 $0x108  }
0x21: {  	s3 =	sadd.s32 s3, s9;
	s6 =	sadd.s32 @!p0 $0x88, s6;
	s7 =	simm.s32 @p2 $0x1082  }
0x22: {  	[simem:s7], [sflag:s8] =	dma.local @!p0 [hbm:s6], $0xF7A  }
0x23: {  	s9 =	sor.u32 $0xD0000000, s2;
	s6 =	simm.s32 $0x108;
	_ =	swait.ge @!p0 [sflag:s8], $0x0  }
0x24: {  	s3 =	sadd.s32 $0x88, s3;
	s6 =	simm.s32 @!p1 $0x1082;
	[sflag:s4] =	ssyncset.s32 $0xFFFFF086  }
0x25: {  	[simem:s6], [sflag:s4] =	dma.local [hbm:s3], $0xF7A  }
0x26: {  	[smem:$0x3F9F] =	sst s1;
	(tag) =	ssettag s2;
	_ =	strace s9  }
0x27: {  	s1 =	sld [smem:$0x3FAF]  }
0x28: {  	s2 =	sld [smem:$0x3FB0]  }
0x29: {  	s4 =	sld [smem:$0x3FB2]  }
0x2a: {  	p0 =	seq.s32 s5, $0x0;
	s5 =	sld [smem:$0x3FB3]  }
0x2b: {  	s6 =	sld [smem:$0x3FB4]  }
0x2c: {  	s7 =	sld [smem:$0x3FB5]  }
0x2d: {  	s3 =	simm.s32 $0x108;
	s8 =	sld [smem:$0x3FB6]  }
0x2e: {  	s3 =	simm.s32 @!p0 $0x1082;
	s9 =	sld [smem:$0x3FB7]  }
0x2f: {  	lr =	sadd.s32 s0, s3;
	s0 =	sld [smem:$0x3FAE]  }
0x30: {  	s3 =	sld [smem:$0x3FB1]  }
0x31: {  	[smem:$0x3FBA] =	sst s10  }
0x32: {  	s10 =	sld [smem:$0x3FB8];
	_ =	sdelay $0x3  }
0x33: {  	p0 =	seq.s32 s10, $0x1;
	s10 =	sld [smem:$0x3FBA];
	_ =	sdelay $0x3  }
0x34: {  	[smem:$0x3FBA] =	sst s10  }
0x35: {  	s10 =	sld [smem:$0x3FB9];
	_ =	sdelay $0x3  }
0x36: {  	p1 =	seq.s32 s10, $0x1;
	s10 =	sld [smem:$0x3FBA];
	_ =	sdelay $0x3  }
0x37: {  	[smem:$0x3FBA] =	sst s10  }
0x38: {  	s10 =	sld [smem:$0x3FBB]  }
0x39: {  	_ = 	snop;
	(pc) =	sbr.ind lr, $3  }
0x3a: {  	_ = 	snop  }
0x3b: {  	_ = 	snop  }
0x3c: {  	p2 =	seq.s32 s10, $0x1;
	s10 =	sld [smem:$0x3FBA]  }
0x3d: {  	_ =	shalt  }
0x3e: {  	_ =	shalt  }
0x3f: {  	_ =	shalt  }
0x40: {  	_ =	shalt  }
0x41: {  	_ =	shalt  }
0x42: {  	_ =	shalt  }
0x43: {  	_ =	shalt  }
0x44: {  	_ =	shalt  }
0x45: {  	_ =	shalt  }
0x46: {  	_ =	shalt  }
0x47: {  	_ =	shalt  }
0x48: {  	_ =	shalt  }
0x49: {  	_ =	shalt  }
0x4a: {  	_ =	shalt  }
0x4b: {  	_ =	shalt  }
0x4c: {  	_ =	shalt  }
0x4d: {  	_ =	shalt  }
0x4e: {  	_ =	shalt  }
0x4f: {  	_ =	shalt  }
0x50: {  	_ =	shalt  }
0x51: {  	_ =	shalt  }
0x52: {  	_ =	shalt  }
0x53: {  	_ =	shalt  }
0x54: {  	_ =	shalt  }
0x55: {  	_ =	shalt  }
0x56: {  	_ =	shalt  }
0x57: {  	_ =	shalt  }
0x58: {  	_ =	shalt  }
0x59: {  	_ =	shalt  }
0x5a: {  	_ =	shalt  }
0x5b: {  	_ =	shalt  }
0x5c: {  	_ =	shalt  }
0x5d: {  	_ =	shalt  }
0x5e: {  	_ =	shalt  }
0x5f: {  	_ =	shalt  }
0x60: {  	_ =	shalt  }
0x61: {  	_ =	shalt  }
0x62: {  	_ =	shalt  }
0x63: {  	_ =	shalt  }
0x64: {  	_ =	shalt  }
0x65: {  	_ =	shalt  }
0x66: {  	_ =	shalt  }
0x67: {  	_ =	shalt  }
0x68: {  	_ =	shalt  }
0x69: {  	_ =	shalt  }
0x6a: {  	_ =	shalt  }
0x6b: {  	_ =	shalt  }
0x6c: {  	_ =	shalt  }
0x6d: {  	_ =	shalt  }
0x6e: {  	_ =	shalt  }
0x6f: {  	_ =	shalt  }
0x70: {  	_ =	shalt  }
0x71: {  	_ =	shalt  }
0x72: {  	_ =	shalt  }
0x73: {  	_ =	shalt  }
0x74: {  	_ =	shalt  }
0x75: {  	_ =	shalt  }
0x76: {  	_ =	shalt  }
0x77: {  	_ =	shalt  }
0x78: {  	_ =	shalt  }
0x79: {  	_ =	shalt  }
0x7a: {  	_ =	shalt  }
0x7b: {  	_ =	shalt  }
0x7c: {  	_ =	shalt  }
0x7d: {  	_ =	shalt  }
0x7e: {  	_ =	shalt  }
0x7f: {  	_ =	shalt  }
0x80: {  	_ =	shalt  }
0x81: {  	_ =	shalt  }
0x82: {  	_ =	shalt  }
0x83: {  	_ =	shalt  }
0x84: {  	_ =	shalt  }
0x85: {  	_ =	shalt  }
0x86: {  	_ =	shalt  }
0x87: {  	_ =	shalt  }
.Lfunc_end0:
.L_simem_size_0:
called_computation_lowered:
.L_overlay_start_0:
0x88: {  	s2 =	sld [smem:$0x3FD9]  }
0x89: {  	s3 =	sld [smem:$0x3FFE];
	_ =	sdelay $0x1  }
0x8a: {  	s1 =	srdreg.scid  }
0x8b: {  	s0 =	sand.u32 $0x1, s1  }
0x8c: {  	s17 =	sshll.u32 s0, $0xA;
	s2 =	sadd.s32 s3, s2  }
0x8d: {  	s2 =	sadd.s32 s2, s17  }
0x8e: {  	[smem:$0x3FC6] =	sst s2  }
0x8f: {  	_ = 	snop  }
0x90: {  	s2 =	sld [smem:$0x3FC8]  }
0x91: {  	s18 =	sld [smem:$0x3FD0];
	(tm) =	ssettm $0x1  }
0x92: {  	s4 =	sld [smem:$0x3FFB];
	_ =	sdelay $0x3  }
0x93: {  	_ =	strace s4  }
0x94: {  	s4 =	sld [smem:$0x3FFC];
	_ =	sdelay $0x3  }
0x95: {  	_ =	strace s4  }
0x96: {  	s4 =	sld [smem:$0x3FFD];
	_ =	sdelay $0x3  }
0x97: {  	_ =	strace s4  }
0x98: {  	_ =	strace $0x8FFFFFFF  }
0x99: {  	s19 =	sld [smem:$0x3FDB];
	_ =	sdelay $0x1  }
0x9a: {  	s5 =	simm.s32 $_scs_section_size  }
0x9b: {  	s6 =	simm.s32 $_size__tile_overlayer_lowered;
	s7 =	simm.s32 $_tile_overlayer_lowered  }
0x9c: {  	s22 =	simm.s32 $0x1BFF;
	s21 =	sshll.u32 s7, $0x1;
	s4 =	sadd.s32 s5, s19  }
0x9d: {  	s8 =	simm.s32 $0x0;
	s20 =	sshll.u32 s6, $0x1;
	s6 =	sadd.s32 s21, s4  }
0x9e: {  	[timem:s8], [sflag:s22] =	dma.local [hbm:s6], s20  }
0x9f: {  	_ =	swait.ge [sflag:s22], s20  }
0xa0: {  	s5 =	ssub.s32 $0x0, s20;
	[sflag:s22] =	ssyncset.done $0x0  }
0xa1: {  	[sflag:s22] =	ssyncadd.s32 s5;
	_ =	sdelay $0x1  }
0xa2: {  	s23 =	simm.s32 $0x1B8B  }
0xa3: {  	_ =	swait.ge [sflag:s23], $0x1  }
0xa4: {  	[sflag:s23] =	ssyncset.done $0x0  }
0xa5: {  	s25 =	simm.s32 $0x1B8E;
	s24 =	sld [smem:$0x3FFE];
	[sflag:s23] =	ssyncadd.s32 $0xFFFFFFFF  }
0xa6: {  	s26 =	simm.s32 $execute0_lowered;
	[smem:$0x3FD2] =	sst s25  }
0xa7: {  	s6 =	sshll.u32 s26, $0x1;
	_ =	strace $0x80000046;
	[dreg:$0x1] =	wrdreg $0xFFFFFFFF  }
0xa8: {  	s28 =	simm.s32 $_size_execute0_lowered;
	s4 =	sadd.s32 s4, s6;
	[dreg:$0x0] =	wrdreg $0x0  }
0xa9: {  	s6 =	sshll.u32 s28, $0x1;
	[dreg:$0x2] =	wrdreg s4  }
0xaa: {  	[dreg:$0x3] =	wrdreg s6  }
0xab: {  	[dreg:$0x4] =	wrdreg $0xC0  }
0xac: {  	_ =	task [dreg:s8], $0x5FFFF  }
0xad: {  	[dreg:$0x1] =	wrdreg $0xFFFFFFFF  }
0xae: {  	[dreg:$0x0] =	wrdreg $0x60  }
0xaf: {  	[dreg:$0x2] =	wrdreg s2  }
0xb0: {  	[dreg:$0x3] =	wrdreg s24  }
0xb1: {  	[dreg:$0x4] =	wrdreg s18  }
0xb2: {  	[dreg:$0x5] =	wrdreg $0x9  }
0xb3: {  	_ =	task.clear_ibuf [dreg:s8], $0x6FFFF;
	_ =	strace $0x90000046  }
0xb4: {  	s29 =	simm.s32 $0x9;
	_ =	strace $0x80000048  }
0xb5: {  	_ =	swait.ge [sflag:s29], $0x1  }
0xb6: {  	[sflag:s29] =	ssyncadd.s32 $0xFFFFFFFF  }
0xb7: {  	_ =	strace $0x90000048  }
0xb8: {  	_ =	sfence  }
0xb9: {  	s30 =	sld [smem:$0x0];
	_ =	sdelay $0x2  }
0xba: {  	s31 =	sshll.u32 s1, $0xD;
	s1 =	sshrl.u32 s1, $0x2  }
0xbb: {  	s3 =	sand.u32 $0x4000, s31;
	s1 =	sadd.s32 s1, s30  }
0xbc: {  	s0 =	sor.u32 s3, s0;
	s1 =	sshll.u32 s1, $0x11  }
0xbd: {  	s0 =	sor.u32 s1, s0  }
0xbe: {  	s0 =	sadd.s32 $0x8F2B, s0  }
0xbf: {  	[sflag:s0] =	ssyncadd.remote.s32 $0x1  }
0xc0: {  	_ =	sfence.sel $0xFFFF  }
0xc1: {  	[dreg:$0x0] =	wrdreg $0xFFFFFFFF;
	(pc) =	sbr.abs _section_cstart, $3  }
0xc2: {  	[dreg:$0x1] =	wrdreg $0xFFFFFFFF  }
0xc3: {  	_ =	task.clear_ibuf [dreg:s8], $0x2FFFF;
	_ =	strace $0x9FFFFFFF  }
0xc4: {  	(tm) =	ssettm $0x7FFFFFFF  }
0xc5: {  	_ =	shalt  }
tec
execute0_lowered:
.L_overlay_start_1:
0x0: {  	(tag) =	ssettag $0x1  }
0x1: {  	s2 =	rddreg [dreg:$0x0]  }
0x2: {  	s0 =	rddreg [dreg:$0x1]  }
0x3: {  	s1 =	srdreg.scid;
	s4 =	rddreg [dreg:$0x2]  }
0x4: {  	s9 =	stileid.u32;
	s3 =	simm.s32 $0x0;
	s11 =	simm.s32 $0x400  }
0x5: {  	s28 =	simm.s32 $0x8400;
	s29 =	simm.s32 $0x8C00;
	s30 =	simm.s32 $0x9400  }
0x6: {  	s31 =	simm.s32 $0x9C00;
	s12 =	simm.s32 $0xB400;
	s13 =	simm.s32 $0xBC00  }
0x7: {  	s14 =	simm.s32 $0xC400;
	s15 =	simm.s32 $0xCC00;
	s16 =	simm.s32 $0xD400  }
0x8: {  	s17 =	simm.s32 $0xDC00;
	s18 =	simm.s32 $0xE400;
	s19 =	simm.s32 $0xEC00  }
0x9: {  	s20 =	simm.s32 $0xF400;
	s21 =	simm.s32 $0xFC00;
	s22 =	simm.s32 $0x1  }
0xa: {  	s23 =	simm.s32 $0x2;
	s1 =	sand.u32 $0x1, s1;
	s5 =	sshll.u32 s9, $0xB  }
0xb: {  	[smem:$0x7FF] =	sst s3;
	s25 =	sshll.u32 s9, $0x12;
	s6 =	sshll.u32 s1, $0xA  }
0xc: {  	s24 =	ssub.s32 $0x2, s1;
	_ =	strace $0x80000047;
	s1 =	sshll.u32 s1, $0x11  }
0xd: {  	s5 =	sor.u32 s6, s5;
	s7 =	sshrl.u32 s24, $0x1;
	s6 =	sadd.s32 $0x200, s2  }
.Ltmp0:
0xe: {  	s5 =	sshrl.u32 s5, $0x3;
	s8 =	ssub.s32 s24, s7;
	(pc) =	sbr.rel .LBB2_1-.Ltmp0, $4  }
0xf: {  	s7 =	sadd.s32 $0x300, s2;
	s0 =	sadd.s32 s5, s0;
	s26 =	smax.u32 s8, $0x1  }
0x10: {  	v2 =	vlaneseq.u32;
	s24 =	simm.s32 $0x0;
	s0 =	sadd.s32 $0x400, s0;
	[dreg:$0x5] =	wrdreg s26  }
0x11: {  	vm0 =	vmmov $0xffff;
	v1 =	vshrl.u32 v2, $0x3;
	s5 =	sadd.s32 $0x100, s2;
	[dreg:$0x4] =	wrdreg s0;
	s0 =	sadd.s32 s25, s4  }
0x12: {  	v0 =	vand.u32 $0x7, v2;
	v2 =	vor.u32 $0x8, v2;
	v1 =	vmul.u32 $0x8, v1;
	s9 =	sadd.s32 s1, s0;
	s0 =	simm.s32 $0xA400;
	s1 =	simm.s32 $0xAC00  }
.LBB2_4:
0x13: {  	s24 =	sadd.s32 $0x1, s24;
	s4 =	rddreg [dreg:$0x5]  }
0x14: {  	p0 =	sne.s32 s24, s4  }
.Ltmp1:
0x15: {  	_ = 	snop;
	(pc) =	sbr.rel @!p0 .LBB2_5-.Ltmp1, $1  }
0x16: {  	_ =	sdelay $0x3  }
.LBB2_1:
0x17: {  	s4 =	rddreg [dreg:$0x4];
	s8 =	simm.s32 $0x3  }
0x18: {  	[tilespmem:s3], [sflag:$0x3] =	stream.linear.gather [hbm4b:s4+s3], $0x400, $0x38;
	[tilespmem:$0x10400] =	vst v63  }
0x19: {  	_ =	swait.ge [sflag:s8], $0x400  }
0x1a: {  	[sflag:s8] =	ssyncset.done $0x0  }
0x1b: {  	[sflag:s8] =	ssyncadd.s32 $0xFFFFFC00  }
0x1c: {  	v3 =	vld [tilespmem:$0x0];
	_ =	sdelay $0x4  }
0x1d: {  	v4 =	vshll.u32 v3, $0x3  }
0x1e: {  	v3 =	vand.u32 $0x7, v3;
	v4 =	vand.u32 $0xFFFFFFC0, v4  }
0x1f: {  	v3 =	vor.u32 v3, v4  }
0x20: {  	v4 =	vperm.xlane v3, v0;
	_ =	sdelay $0x1  }
0x21: {  	v4 =	vadd.s32 v1, v4;
	_ =	sdelay $0x4  }
0x22: {  	[tilespmem:s11], [sflag:$0x1] =	stream.indirect_vreg.gather [hbm4b:s2+s3], $0x80, v4, vm0, $0xb8;
	[tilespmem:$0x10400] =	vst v63  }
0x23: {  	s10 =	simm.s32 $0xC00;
	v3 =	vperm.xlane v3, v2  }
0x24: {  	[tilespmem:s10], [sflag:$0x1] =	stream.indirect_vreg.gather [hbm4b:s5+s3], $0x80, v4, vm0, $0xb8;
	[tilespmem:$0x10400] =	vst v63  }
0x25: {  	s25 =	simm.s32 $0x1400;
	v3 =	vadd.s32 v1, v3  }
0x26: {  	[tilespmem:s25], [sflag:$0x1] =	stream.indirect_vreg.gather [hbm4b:s6+s3], $0x80, v4, vm0, $0xb8;
	[tilespmem:$0x10400] =	vst v63  }
0x27: {  	s26 =	simm.s32 $0x1C00  }
0x28: {  	[tilespmem:s26], [sflag:$0x1] =	stream.indirect_vreg.gather [hbm4b:s7+s3], $0x80, v4, vm0, $0xb8;
	[tilespmem:$0x10400] =	vst v63  }
0x29: {  	s8 =	simm.s32 $0x2400  }
0x2a: {  	[tilespmem:s8], [sflag:$0x1] =	stream.indirect_vreg.gather [hbm4b:s2+s3], $0x80, v3, vm0, $0xb8;
	[tilespmem:$0x10400] =	vst v63  }
0x2b: {  	s10 =	simm.s32 $0x2C00  }
0x2c: {  	[tilespmem:s10], [sflag:$0x1] =	stream.indirect_vreg.gather [hbm4b:s5+s3], $0x80, v3, vm0, $0xb8;
	[tilespmem:$0x10400] =	vst v63  }
0x2d: {  	s25 =	simm.s32 $0x3400  }
0x2e: {  	[tilespmem:s25], [sflag:$0x1] =	stream.indirect_vreg.gather [hbm4b:s6+s3], $0x80, v3, vm0, $0xb8;
	[tilespmem:$0x10400] =	vst v63  }
0x2f: {  	s26 =	simm.s32 $0x3C00  }
0x30: {  	[tilespmem:s26], [sflag:$0x1] =	stream.indirect_vreg.gather [hbm4b:s7+s3], $0x80, v3, vm0, $0xb8;
	[tilespmem:$0x10400] =	vst v63  }
0x31: {  	v3 =	vld [tilespmem:$0x10];
	_ =	sdelay $0x4  }
0x32: {  	v61 =	vshll.u32 v3, $0x3  }
0x33: {  	v3 =	vand.u32 $0x7, v3;
	v4 =	vand.u32 $0xFFFFFFC0, v61  }
0x34: {  	v3 =	vor.u32 v3, v4  }
0x35: {  	v4 =	vperm.xlane v3, v0;
	_ =	sdelay $0x1  }
0x36: {  	v4 =	vadd.s32 v1, v4;
	_ =	sdelay $0x3  }
0x37: {  	s8 =	simm.s32 $0x4400  }
0x38: {  	[tilespmem:s8], [sflag:$0x1] =	stream.indirect_vreg.gather [hbm4b:s2+s3], $0x80, v4, vm0, $0xb8;
	[tilespmem:$0x10400] =	vst v63  }
0x39: {  	s10 =	simm.s32 $0x4C00;
	v3 =	vperm.xlane v3, v2  }
0x3a: {  	[tilespmem:s10], [sflag:$0x1] =	stream.indirect_vreg.gather [hbm4b:s5+s3], $0x80, v4, vm0, $0xb8;
	[tilespmem:$0x10400] =	vst v63  }
0x3b: {  	s25 =	simm.s32 $0x5400;
	v3 =	vadd.s32 v1, v3  }
0x3c: {  	[tilespmem:s25], [sflag:$0x1] =	stream.indirect_vreg.gather [hbm4b:s6+s3], $0x80, v4, vm0, $0xb8;
	[tilespmem:$0x10400] =	vst v63  }
0x3d: {  	s26 =	simm.s32 $0x5C00  }
0x3e: {  	[tilespmem:s26], [sflag:$0x1] =	stream.indirect_vreg.gather [hbm4b:s7+s3], $0x80, v4, vm0, $0xb8;
	[tilespmem:$0x10400] =	vst v63  }
0x3f: {  	s8 =	simm.s32 $0x6400  }
0x40: {  	[tilespmem:s8], [sflag:$0x1] =	stream.indirect_vreg.gather [hbm4b:s2+s3], $0x80, v3, vm0, $0xb8;
	[tilespmem:$0x10400] =	vst v63  }
0x41: {  	s10 =	simm.s32 $0x6C00  }
0x42: {  	[tilespmem:s10], [sflag:$0x1] =	stream.indirect_vreg.gather [hbm4b:s5+s3], $0x80, v3, vm0, $0xb8;
	[tilespmem:$0x10400] =	vst v63  }
0x43: {  	s25 =	simm.s32 $0x7400  }
0x44: {  	[tilespmem:s25], [sflag:$0x1] =	stream.indirect_vreg.gather [hbm4b:s6+s3], $0x80, v3, vm0, $0xb8;
	[tilespmem:$0x10400] =	vst v63  }
0x45: {  	s26 =	simm.s32 $0x7C00  }
0x46: {  	[tilespmem:s26], [sflag:$0x1] =	stream.indirect_vreg.gather [hbm4b:s7+s3], $0x80, v3, vm0, $0xb8;
	[tilespmem:$0x10400] =	vst v63  }
0x47: {  	v3 =	vld [tilespmem:$0x20];
	_ =	sdelay $0x4  }
0x48: {  	v62 =	vshll.u32 v3, $0x3  }
0x49: {  	v3 =	vand.u32 $0x7, v3;
	v4 =	vand.u32 $0xFFFFFFC0, v62  }
0x4a: {  	v3 =	vor.u32 v3, v4  }
0x4b: {  	v4 =	vperm.xlane v3, v0;
	_ =	sdelay $0x1  }
0x4c: {  	v4 =	vadd.s32 v1, v4;
	_ =	sdelay $0x4  }
0x4d: {  	[tilespmem:s28], [sflag:$0x1] =	stream.indirect_vreg.gather [hbm4b:s2+s3], $0x80, v4, vm0, $0xb8;
	[tilespmem:$0x10400] =	vst v63  }
0x4e: {  	v3 =	vperm.xlane v3, v2  }
0x4f: {  	[tilespmem:s29], [sflag:$0x1] =	stream.indirect_vreg.gather [hbm4b:s5+s3], $0x80, v4, vm0, $0xb8;
	[tilespmem:$0x10400] =	vst v63  }
0x50: {  	v3 =	vadd.s32 v1, v3  }
0x51: {  	[tilespmem:s30], [sflag:$0x1] =	stream.indirect_vreg.gather [hbm4b:s6+s3], $0x80, v4, vm0, $0xb8;
	[tilespmem:$0x10400] =	vst v63  }
0x52: {  	_ = 	snop  }
0x53: {  	[tilespmem:s31], [sflag:$0x1] =	stream.indirect_vreg.gather [hbm4b:s7+s3], $0x80, v4, vm0, $0xb8;
	[tilespmem:$0x10400] =	vst v63  }
0x54: {  	_ = 	snop  }
0x55: {  	[tilespmem:s0], [sflag:$0x1] =	stream.indirect_vreg.gather [hbm4b:s2+s3], $0x80, v3, vm0, $0xb8;
	[tilespmem:$0x10400] =	vst v63  }
0x56: {  	_ = 	snop  }
0x57: {  	[tilespmem:s1], [sflag:$0x1] =	stream.indirect_vreg.gather [hbm4b:s5+s3], $0x80, v3, vm0, $0xb8;
	[tilespmem:$0x10400] =	vst v63  }
0x58: {  	_ = 	snop  }
0x59: {  	[tilespmem:s12], [sflag:$0x1] =	stream.indirect_vreg.gather [hbm4b:s6+s3], $0x80, v3, vm0, $0xb8;
	[tilespmem:$0x10400] =	vst v63  }
0x5a: {  	_ = 	snop  }
0x5b: {  	[tilespmem:s13], [sflag:$0x1] =	stream.indirect_vreg.gather [hbm4b:s7+s3], $0x80, v3, vm0, $0xb8;
	[tilespmem:$0x10400] =	vst v63  }
0x5c: {  	v3 =	vld [tilespmem:$0x30];
	_ =	sdelay $0x4  }
0x5d: {  	v63 =	vshll.u32 v3, $0x3  }
0x5e: {  	v3 =	vand.u32 $0x7, v3;
	v4 =	vand.u32 $0xFFFFFFC0, v63  }
0x5f: {  	v3 =	vor.u32 v3, v4  }
0x60: {  	v4 =	vperm.xlane v3, v0;
	_ =	sdelay $0x1  }
0x61: {  	v4 =	vadd.s32 v1, v4;
	_ =	sdelay $0x4  }
0x62: {  	[tilespmem:s14], [sflag:$0x1] =	stream.indirect_vreg.gather [hbm4b:s2+s3], $0x80, v4, vm0, $0xb8;
	[tilespmem:$0x10400] =	vst v63  }
0x63: {  	v3 =	vperm.xlane v3, v2  }
0x64: {  	[tilespmem:s15], [sflag:$0x1] =	stream.indirect_vreg.gather [hbm4b:s5+s3], $0x80, v4, vm0, $0xb8;
	[tilespmem:$0x10400] =	vst v63  }
0x65: {  	v3 =	vadd.s32 v1, v3  }
0x66: {  	[tilespmem:s16], [sflag:$0x1] =	stream.indirect_vreg.gather [hbm4b:s6+s3], $0x80, v4, vm0, $0xb8;
	[tilespmem:$0x10400] =	vst v63  }
0x67: {  	_ = 	snop  }
0x68: {  	[tilespmem:s17], [sflag:$0x1] =	stream.indirect_vreg.gather [hbm4b:s7+s3], $0x80, v4, vm0, $0xb8;
	[tilespmem:$0x10400] =	vst v63  }
0x69: {  	_ = 	snop  }
0x6a: {  	[tilespmem:s18], [sflag:$0x1] =	stream.indirect_vreg.gather [hbm4b:s2+s3], $0x80, v3, vm0, $0xb8;
	[tilespmem:$0x10400] =	vst v63  }
0x6b: {  	_ = 	snop  }
0x6c: {  	[tilespmem:s19], [sflag:$0x1] =	stream.indirect_vreg.gather [hbm4b:s5+s3], $0x80, v3, vm0, $0xb8;
	[tilespmem:$0x10400] =	vst v63  }
0x6d: {  	_ = 	snop  }
0x6e: {  	[tilespmem:s20], [sflag:$0x1] =	stream.indirect_vreg.gather [hbm4b:s6+s3], $0x80, v3, vm0, $0xb8;
	[tilespmem:$0x10400] =	vst v63  }
0x6f: {  	s25 =	simm.s32 $0x70;
	s26 =	simm.s32 $0x0  }
0x70: {  	[tilespmem:s21], [sflag:$0x1] =	stream.indirect_vreg.gather [hbm4b:s7+s3], $0x80, v3, vm0, $0xb8;
	[tilespmem:$0x10400] =	vst v63  }
.LBB2_2:
0x71: {  	_ =	swait.ge [sflag:s22], $0x8000  }
0x72: {  	[sflag:s22] =	ssyncset.done $0x0  }
0x73: {  	s4 =	sadd.s32 s26, s9;
	[sflag:s22] =	ssyncadd.s32 $0xFFFF8000  }
0x74: {  	[hbm4b:s4+s3] =	stream.linear.scatter [tilespmem:s11], [sflag:$0x2], $0x8000, $0x38;
	[tilespmem:$0x10400] =	vst v63  }
0x75: {  	_ =	swait.ge [sflag:s23], $0x8000  }
0x76: {  	[sflag:s23] =	ssyncset.done $0x0  }
0x77: {  	p0 =	seq.s32 s26, $0x1E000;
	[sflag:s23] =	ssyncadd.s32 $0xFFFF8000  }
0x78: {  	v3 =	vld @!p0 [tilespmem:s25+$0xFFFFFFD0];
	_ =	sdelay $0x4  }
0x79: {  	v4 =	vshll.u32 @!p0 v3, $0x3  }
0x7a: {  	v5 =	vlaneseq.u32 @!p0;
	v3 =	vand.u32 @!p0 $0x7, v3;
	v4 =	vand.u32 @!p0 $0xFFFFFFC0, v4  }
0x7b: {  	v6 =	vshrl.u32 @!p0 v5, $0x3;
	v3 =	vor.u32 @!p0 v3, v4;
	v4 =	vand.u32 @!p0 $0x7, v5  }
0x7c: {  	v6 =	vmul.u32 @!p0 $0x8, v6;
	v7 =	vperm.xlane @!p0 v3, v4;
	_ =	sdelay $0x1  }
0x7d: {  	v7 =	vadd.s32 @!p0 v6, v7;
	_ =	sdelay $0x3  }
0x7e: {  	vm1 =	vmmov @!p0 $0xffff;
	s8 =	simm.s32 @!p0 $0x0;
	s10 =	simm.s32 @!p0 $0x400  }
0x7f: {  	v5 =	vor.u32 @!p0 $0x8, v5;
	[tilespmem:s10], [sflag:$0x1] =	stream.indirect_vreg.gather @!p0 [hbm4b:s2+s8], $0x80, v7, vm1, $0xb8;
	[tilespmem:$0x10400] =	vst v63  }
0x80: {  	v3 =	vperm.xlane @!p0 v3, v5;
	s10 =	simm.s32 @!p0 $0xC00  }
0x81: {  	[tilespmem:s10], [sflag:$0x1] =	stream.indirect_vreg.gather @!p0 [hbm4b:s5+s8], $0x80, v7, vm1, $0xb8;
	[tilespmem:$0x10400] =	vst v63  }
0x82: {  	v3 =	vadd.s32 @!p0 v6, v3;
	s10 =	simm.s32 @!p0 $0x1400  }
0x83: {  	[tilespmem:s10], [sflag:$0x1] =	stream.indirect_vreg.gather @!p0 [hbm4b:s6+s8], $0x80, v7, vm1, $0xb8;
	[tilespmem:$0x10400] =	vst v63  }
0x84: {  	s10 =	simm.s32 @!p0 $0x1C00  }
0x85: {  	[tilespmem:s10], [sflag:$0x1] =	stream.indirect_vreg.gather @!p0 [hbm4b:s7+s8], $0x80, v7, vm1, $0xb8;
	[tilespmem:$0x10400] =	vst v63  }
0x86: {  	s10 =	simm.s32 @!p0 $0x2400  }
0x87: {  	[tilespmem:s10], [sflag:$0x1] =	stream.indirect_vreg.gather @!p0 [hbm4b:s2+s8], $0x80, v3, vm1, $0xb8;
	[tilespmem:$0x10400] =	vst v63  }
0x88: {  	s10 =	simm.s32 @!p0 $0x2C00  }
0x89: {  	[tilespmem:s10], [sflag:$0x1] =	stream.indirect_vreg.gather @!p0 [hbm4b:s5+s8], $0x80, v3, vm1, $0xb8;
	[tilespmem:$0x10400] =	vst v63  }
0x8a: {  	s10 =	simm.s32 @!p0 $0x3400  }
0x8b: {  	[tilespmem:s10], [sflag:$0x1] =	stream.indirect_vreg.gather @!p0 [hbm4b:s6+s8], $0x80, v3, vm1, $0xb8;
	[tilespmem:$0x10400] =	vst v63  }
0x8c: {  	s10 =	simm.s32 @!p0 $0x3C00  }
0x8d: {  	[tilespmem:s10], [sflag:$0x1] =	stream.indirect_vreg.gather @!p0 [hbm4b:s7+s8], $0x80, v3, vm1, $0xb8;
	[tilespmem:$0x10400] =	vst v63  }
0x8e: {  	v3 =	vld @!p0 [tilespmem:s25+$0xFFFFFFE0];
	_ =	sdelay $0x4  }
0x8f: {  	v7 =	vshll.u32 @!p0 v3, $0x3  }
0x90: {  	v3 =	vand.u32 @!p0 $0x7, v3;
	v7 =	vand.u32 @!p0 $0xFFFFFFC0, v7  }
0x91: {  	v3 =	vor.u32 @!p0 v3, v7  }
0x92: {  	v4 =	vperm.xlane @!p0 v3, v4;
	_ =	sdelay $0x1  }
0x93: {  	v4 =	vadd.s32 @!p0 v6, v4;
	_ =	sdelay $0x3  }
0x94: {  	s10 =	simm.s32 @!p0 $0x4400  }
0x95: {  	[tilespmem:s10], [sflag:$0x1] =	stream.indirect_vreg.gather @!p0 [hbm4b:s2+s8], $0x80, v4, vm1, $0xb8;
	[tilespmem:$0x10400] =	vst v63  }
0x96: {  	v3 =	vperm.xlane @!p0 v3, v5;
	s10 =	simm.s32 @!p0 $0x4C00  }
0x97: {  	[tilespmem:s10], [sflag:$0x1] =	stream.indirect_vreg.gather @!p0 [hbm4b:s5+s8], $0x80, v4, vm1, $0xb8;
	[tilespmem:$0x10400] =	vst v63  }
0x98: {  	v3 =	vadd.s32 @!p0 v6, v3;
	s10 =	simm.s32 @!p0 $0x5400  }
0x99: {  	[tilespmem:s10], [sflag:$0x1] =	stream.indirect_vreg.gather @!p0 [hbm4b:s6+s8], $0x80, v4, vm1, $0xb8;
	[tilespmem:$0x10400] =	vst v63  }
0x9a: {  	s10 =	simm.s32 @!p0 $0x5C00  }
0x9b: {  	[tilespmem:s10], [sflag:$0x1] =	stream.indirect_vreg.gather @!p0 [hbm4b:s7+s8], $0x80, v4, vm1, $0xb8;
	[tilespmem:$0x10400] =	vst v63  }
0x9c: {  	s10 =	simm.s32 @!p0 $0x6400  }
0x9d: {  	[tilespmem:s10], [sflag:$0x1] =	stream.indirect_vreg.gather @!p0 [hbm4b:s2+s8], $0x80, v3, vm1, $0xb8;
	[tilespmem:$0x10400] =	vst v63  }
0x9e: {  	s10 =	simm.s32 @!p0 $0x6C00  }
0x9f: {  	[tilespmem:s10], [sflag:$0x1] =	stream.indirect_vreg.gather @!p0 [hbm4b:s5+s8], $0x80, v3, vm1, $0xb8;
	[tilespmem:$0x10400] =	vst v63  }
0xa0: {  	s10 =	simm.s32 @!p0 $0x7400  }
0xa1: {  	[tilespmem:s10], [sflag:$0x1] =	stream.indirect_vreg.gather @!p0 [hbm4b:s6+s8], $0x80, v3, vm1, $0xb8;
	[tilespmem:$0x10400] =	vst v63  }
0xa2: {  	s10 =	simm.s32 @!p0 $0x7C00  }
0xa3: {  	[tilespmem:s10], [sflag:$0x1] =	stream.indirect_vreg.gather @!p0 [hbm4b:s7+s8], $0x80, v3, vm1, $0xb8;
	[tilespmem:$0x10400] =	vst v63  }
0xa4: {  	_ =	swait.ge [sflag:s22], $0x8000  }
0xa5: {  	[sflag:s22] =	ssyncset.done $0x0  }
.Ltmp2:
0xa6: {  	s4 =	sadd.s32 $0x1000, s4;
	[sflag:s22] =	ssyncadd.s32 $0xFFFF8000;
	(pc) =	sbr.rel @p0 .LBB2_4-.Ltmp2, $4  }
0xa7: {  	[hbm4b:s4+s3] =	stream.linear.scatter [tilespmem:s28], [sflag:$0x2], $0x8000, $0x38;
	[tilespmem:$0x10400] =	vst v63  }
0xa8: {  	_ =	swait.ge [sflag:s23], $0x8000  }
0xa9: {  	[sflag:s23] =	ssyncset.done $0x0  }
0xaa: {  	[sflag:s23] =	ssyncadd.s32 $0xFFFF8000  }
0xab: {  	v3 =	vld [tilespmem:s25+$0xFFFFFFF0];
	_ =	sdelay $0x4  }
0xac: {  	v4 =	vshll.u32 v3, $0x3  }
0xad: {  	v3 =	vand.u32 $0x7, v3;
	v4 =	vand.u32 $0xFFFFFFC0, v4  }
0xae: {  	v3 =	vor.u32 v3, v4  }
0xaf: {  	v4 =	vperm.xlane v3, v0;
	_ =	sdelay $0x1  }
0xb0: {  	v4 =	vadd.s32 v1, v4;
	_ =	sdelay $0x4  }
0xb1: {  	[tilespmem:s28], [sflag:$0x1] =	stream.indirect_vreg.gather [hbm4b:s2+s3], $0x80, v4, vm0, $0xb8;
	[tilespmem:$0x10400] =	vst v63  }
0xb2: {  	v3 =	vperm.xlane v3, v2  }
0xb3: {  	[tilespmem:s29], [sflag:$0x1] =	stream.indirect_vreg.gather [hbm4b:s5+s3], $0x80, v4, vm0, $0xb8;
	[tilespmem:$0x10400] =	vst v63  }
0xb4: {  	v3 =	vadd.s32 v1, v3  }
0xb5: {  	[tilespmem:s30], [sflag:$0x1] =	stream.indirect_vreg.gather [hbm4b:s6+s3], $0x80, v4, vm0, $0xb8;
	[tilespmem:$0x10400] =	vst v63  }
0xb6: {  	_ = 	snop  }
0xb7: {  	[tilespmem:s31], [sflag:$0x1] =	stream.indirect_vreg.gather [hbm4b:s7+s3], $0x80, v4, vm0, $0xb8;
	[tilespmem:$0x10400] =	vst v63  }
0xb8: {  	_ = 	snop  }
0xb9: {  	[tilespmem:s0], [sflag:$0x1] =	stream.indirect_vreg.gather [hbm4b:s2+s3], $0x80, v3, vm0, $0xb8;
	[tilespmem:$0x10400] =	vst v63  }
0xba: {  	_ = 	snop  }
0xbb: {  	[tilespmem:s1], [sflag:$0x1] =	stream.indirect_vreg.gather [hbm4b:s5+s3], $0x80, v3, vm0, $0xb8;
	[tilespmem:$0x10400] =	vst v63  }
0xbc: {  	_ = 	snop  }
0xbd: {  	[tilespmem:s12], [sflag:$0x1] =	stream.indirect_vreg.gather [hbm4b:s6+s3], $0x80, v3, vm0, $0xb8;
	[tilespmem:$0x10400] =	vst v63  }
0xbe: {  	_ = 	snop  }
0xbf: {  	[tilespmem:s13], [sflag:$0x1] =	stream.indirect_vreg.gather [hbm4b:s7+s3], $0x80, v3, vm0, $0xb8;
	[tilespmem:$0x10400] =	vst v63  }
0xc0: {  	v3 =	vld [tilespmem:s25+$0x0];
	_ =	sdelay $0x4  }
0xc1: {  	v63 =	vshll.u32 v3, $0x3  }
0xc2: {  	v3 =	vand.u32 $0x7, v3;
	v4 =	vand.u32 $0xFFFFFFC0, v63  }
0xc3: {  	v3 =	vor.u32 v3, v4  }
0xc4: {  	v4 =	vperm.xlane v3, v0;
	_ =	sdelay $0x1  }
0xc5: {  	v4 =	vadd.s32 v1, v4;
	_ =	sdelay $0x4  }
0xc6: {  	[tilespmem:s14], [sflag:$0x1] =	stream.indirect_vreg.gather [hbm4b:s2+s3], $0x80, v4, vm0, $0xb8;
	[tilespmem:$0x10400] =	vst v63  }
0xc7: {  	v3 =	vperm.xlane v3, v2  }
0xc8: {  	[tilespmem:s15], [sflag:$0x1] =	stream.indirect_vreg.gather [hbm4b:s5+s3], $0x80, v4, vm0, $0xb8;
	[tilespmem:$0x10400] =	vst v63  }
0xc9: {  	v3 =	vadd.s32 v1, v3  }
0xca: {  	[tilespmem:s16], [sflag:$0x1] =	stream.indirect_vreg.gather [hbm4b:s6+s3], $0x80, v4, vm0, $0xb8;
	[tilespmem:$0x10400] =	vst v63  }
0xcb: {  	_ = 	snop  }
0xcc: {  	[tilespmem:s17], [sflag:$0x1] =	stream.indirect_vreg.gather [hbm4b:s7+s3], $0x80, v4, vm0, $0xb8;
	[tilespmem:$0x10400] =	vst v63  }
0xcd: {  	_ = 	snop  }
0xce: {  	[tilespmem:s18], [sflag:$0x1] =	stream.indirect_vreg.gather [hbm4b:s2+s3], $0x80, v3, vm0, $0xb8;
	[tilespmem:$0x10400] =	vst v63  }
0xcf: {  	_ = 	snop  }
0xd0: {  	[tilespmem:s19], [sflag:$0x1] =	stream.indirect_vreg.gather [hbm4b:s5+s3], $0x80, v3, vm0, $0xb8;
	[tilespmem:$0x10400] =	vst v63  }
.Ltmp3:
0xd1: {  	_ = 	snop;
	(pc) =	sbr.rel .LBB2_2-.Ltmp3, $4  }
0xd2: {  	_ = 	snop  }
0xd3: {  	[tilespmem:s20], [sflag:$0x1] =	stream.indirect_vreg.gather [hbm4b:s6+s3], $0x80, v3, vm0, $0xb8;
	[tilespmem:$0x10400] =	vst v63  }
0xd4: {  	s26 =	sadd.s32 $0x2000, s26;
	s25 =	sadd.s32 $0x40, s25  }
0xd5: {  	[tilespmem:s21], [sflag:$0x1] =	stream.indirect_vreg.gather [hbm4b:s7+s3], $0x80, v3, vm0, $0xb8;
	[tilespmem:$0x10400] =	vst v63  }
.LBB2_5:
0xd6: {  	_ =	sfence.sel $0x180000  }
0xd7: {  	[bflag:$0x0] =	sbarrier.arrive $0xFFFF  }
0xd8: {  	_ =	strace $0x90000047  }
0xd9: {  	s0 =	stileid.u32;
	[bflag:$0x2] =	sbarrier.arrive $0xFFFF  }
0xda: {  	p0 =	sne.s32 s0, $0x0;
	s0 =	rddreg [dreg:$0x3]  }
0xdb: {  	s0 =	sadd.s32 @!p0 $0x100000, s0  }
0xdc: {  	[sflag:s0] =	ssyncadd.tile.s32 @!p0 $0x1;
	_ =	shalt  }
.Lfunc_end2:
_tile_overlayer_lowered:
.L_overlay_start_2:
0xdd: {  	(tag) =	ssettag $0x2  }
0xde: {  	s0 =	rddreg [dreg:$0x0];
	s2 =	stileid.u32  }
0xdf: {  	s1 =	rddreg [dreg:$0x1];
	p0 =	sne.s32 s2, $0x0  }
0xe0: {  	s3 =	rddreg [dreg:$0x2];
	[bflag:$0x3] =	sbarrier.arrive $0xFFFF;
	s2 =	simm.s32 @!p0 $0x1C03  }
0xe1: {  	[timem:s3], [sflag:s2] =	dma.local @!p0 [hbm:s0], s1  }
0xe2: {  	s0 =	simm.s32 @!p0 $0x3  }
0xe3: {  	_ =	swait.ge @!p0 [sflag:s0], s1  }
0xe4: {  	s1 =	ssub.s32 @!p0 $0x0, s1;
	[sflag:s0] =	ssyncset.done @!p0 $0x0  }
0xe5: {  	[sflag:s0] =	ssyncadd.s32 @!p0 s1  }
0xe6: {  	[bflag:$0x3] =	sbarrier.arrive $0xFFFF  }
0xe7: {  	_ =	shalt  }

</sc_bundles>
